<compile_context>
chip_gen: v7x
topology: tpu7x:2x2x1
jax: 0.10.2.dev20260603
libtpu: 0.0.44.dev20260713+nightly
codegen_flags: <defaults>
</compile_context>

<pallas_src>
import jax
import jax.numpy as jnp
from jax.experimental import pallas as pl
from jax.experimental.pallas import tpu as pltpu

KW = 256


def _band_kernel(starts_ref, x_ref, w_ref, m_ref, b_ref, o_ref):
    s = pl.program_id(0)
    F = x_ref.shape[-1]
    fbuf = ((F + 127) // 128) * 128

    start = starts_ref[s]
    tile = jnp.minimum(start // 128, (fbuf - KW) // 128)
    rem = start - tile * 128
    mask = m_ref[0, 0]
    w_rows = w_ref.shape[2]
    pad_rows = KW - w_rows
    zrows = jnp.zeros((pad_rows, w_ref.shape[3]), dtype=jnp.float32)

    def shifted(c):
        wm = w_ref[0, c] * mask[:, None]
        wk = jnp.concatenate([wm, zrows], axis=0)
        return pltpu.roll(wk, rem, axis=0).astype(jnp.bfloat16)

    wm0 = shifted(0)
    wm1 = shifted(1)
    bias = b_ref[0, 0]
    nb, _, nt, _ = x_ref.shape
    no = bias.shape[-1]
    col_ok = (tile * 128 + jax.lax.broadcasted_iota(jnp.int32, (1, KW), 1)) < F

    def window(c):
        a = x_ref[:, c, :, pl.ds(tile * 128, KW)].reshape(nb * nt, KW)
        a = jnp.where(col_ok, a, 0.0)
        return a.astype(jnp.bfloat16)

    acc = jnp.dot(window(0), wm0, preferred_element_type=jnp.float32)
    acc += jnp.dot(window(1), wm1, preferred_element_type=jnp.float32)
    o_ref[0] = (acc + bias[None, :]).reshape(nb, nt, no)


def kernel(x, pre_w, pre_b, idxes, masks):
    B, C, T, F = x.shape
    S, _, W, O = pre_w.shape
    m_r = masks.reshape(S, 1, W)
    b_r = pre_b.reshape(S, 1, O)
    starts = idxes[:, 0].astype(jnp.int32)

    grid_spec = pltpu.PrefetchScalarGridSpec(
        num_scalar_prefetch=1,
        grid=(S,),
        in_specs=[
            pl.BlockSpec((B, C, T, F), lambda s, st: (0, 0, 0, 0)),
            pl.BlockSpec((1, C, W, O), lambda s, st: (s, 0, 0, 0)),
            pl.BlockSpec((1, 1, W), lambda s, st: (s, 0, 0)),
            pl.BlockSpec((1, 1, O), lambda s, st: (s, 0, 0)),
        ],
        out_specs=pl.BlockSpec((1, B, T, O), lambda s, st: (s, 0, 0, 0)),
    )
    out = pl.pallas_call(
        _band_kernel,
        grid_spec=grid_spec,
        out_shape=jax.ShapeDtypeStruct((S, B, T, O), jnp.float32),
    )(starts, x, pre_w, m_r, b_r)
    return out.transpose(1, 3, 2, 0)

# --- scband reference (transcript-rebuilt; emitter-appended) ---
"""Pipeline reference for scband-band-split-91173565760174 (READ-ONLY COPY).

The authoritative reference and input builder live on the scoring server;
editing this copy changes nothing except your own understanding.
"""

import jax, jax.numpy as jnp
import numpy as np

SR = 44100.0
N_FFT = 2048
N_BANDS = 64
IN_CH = 2
OUT_CH = 128
B, T = 4, 512


def _hz_to_mel(f):
    f = np.asarray(f, dtype=np.float64)
    f_sp = 200.0 / 3
    mels = f / f_sp
    min_log_hz = 1000.0
    min_log_mel = min_log_hz / f_sp
    logstep = np.log(6.4) / 27.0
    mels = np.where(f >= min_log_hz, min_log_mel + np.log(np.maximum(f, 1e-10) / min_log_hz) / logstep, mels)
    return mels


def _mel_to_hz(m):
    m = np.asarray(m, dtype=np.float64)
    f_sp = 200.0 / 3
    freqs = f_sp * m
    min_log_hz = 1000.0
    min_log_mel = min_log_hz / f_sp
    logstep = np.log(6.4) / 27.0
    freqs = np.where(m >= min_log_mel, min_log_hz * np.exp(logstep * (m - min_log_mel)), freqs)
    return freqs


def _mel_filters(sr, n_fft, n_mels):
    F = 1 + n_fft // 2
    weights = np.zeros((n_mels, F), dtype=np.float64)
    fftfreqs = np.fft.rfftfreq(n=n_fft, d=1.0 / sr)
    mel_f = _mel_to_hz(np.linspace(_hz_to_mel(0.0), _hz_to_mel(sr / 2.0), n_mels + 2))
    fdiff = np.diff(mel_f)
    ramps = np.subtract.outer(mel_f, fftfreqs)
    for i in range(n_mels):
        lower = -ramps[i] / fdiff[i]
        upper = ramps[i + 2] / fdiff[i + 1]
        weights[i] = np.maximum(0.0, np.minimum(lower, upper))
    return weights  # norm=None (librosa.filters.mel(..., norm=None))


def _build_buffers():
    melbanks = _mel_filters(SR, N_FFT, N_BANDS - 2)
    F = N_FFT // 2 + 1
    mb0 = np.zeros(F)
    idx = int(np.argmax(melbanks[0]))
    mb0[:idx] = 1.0 - melbanks[0, :idx]
    mbl = np.zeros(F)
    idx = int(np.argmax(melbanks[-1]))
    mbl[idx:] = 1.0 - melbanks[-1, idx:]
    melbanks = np.concatenate([mb0[None, :], melbanks, mbl[None, :]], axis=0).astype(np.float32)
    nz = [np.nonzero(np.abs(melbanks[f]) > 1e-6)[0] for f in range(N_BANDS)]
    max_len = max(len(a) for a in nz)
    idxes = np.full((N_BANDS, max_len), N_FFT // 2, dtype=np.int32)
    masks = np.zeros((N_BANDS, max_len), dtype=np.float32)
    for i, a in enumerate(nz):
        idxes[i, : len(a)] = a
        masks[i, : len(a)] = 1.0
    return idxes, masks, max_len, nz


def setup_inputs(seed: int = 0) -> dict:
    key = jax.random.key(seed)
    k1, k2 = jax.random.split(key)
    idxes, masks, max_len, nz = _build_buffers()
    x = jax.random.normal(k1, (B, IN_CH, T, N_FFT // 2 + 1), dtype=jnp.float32)
    # pre_w: (n_bands, in_channels, max_len, out_channels), per-band uniform init bound
    pre_w = jax.random.uniform(k2, (N_BANDS, IN_CH, max_len, OUT_CH), dtype=jnp.float32, minval=-1.0, maxval=1.0)
    bounds = np.array([1.0 / np.sqrt(IN_CH * len(a)) for a in nz], dtype=np.float32)
    pre_w = pre_w * jnp.asarray(bounds)[:, None, None, None]
    pre_b = jnp.zeros((N_BANDS, OUT_CH), dtype=jnp.float32)
    return {
        "x": x,
        "pre_w": pre_w,
        "pre_b": pre_b,
        "idxes": jnp.asarray(idxes),
        "masks": jnp.asarray(masks),
    }


def reference(x, pre_w, pre_b, idxes, masks):
    # BandSplit.transform: gather stft bins per mel band, mask pads, per-band linear
    _x = x[:, :, :, idxes] * masks  # (b, c, t, s, w)
    _y = jnp.einsum("bctsw,scwo->btso", _x, pre_w) + pre_b  # (b, t, s, o)
    out = jnp.transpose(_y, (0, 3, 1, 2))  # (b, o, t, s)
    return out

if __name__ == "__main__":
    import jax
    _d = setup_inputs()
    print(jax.jit(kernel)(*tuple(_d.values())))

</pallas_src>

<mosaic_0001>
module attributes {stable_mosaic.version = 14 : i64} {
  func.func @_band_kernel(%arg0: i32, %arg1: memref<64xi32, #tpu.memory_space<smem>>, %arg2: memref<4x2x512x1025xf32, #tpu.memory_space<vmem>>, %arg3: memref<1x2x125x128xf32, #tpu.memory_space<vmem>>, %arg4: memref<1x1x125xf32, #tpu.memory_space<vmem>>, %arg5: memref<1x1x128xf32, #tpu.memory_space<vmem>>, %arg6: memref<1x4x512x128xf32, #tpu.memory_space<vmem>>) attributes {dimension_semantics = [#tpu.dimension_semantics<arbitrary>], iteration_bounds = array<i64: 64>, scalar_prefetch = 1 : i64, scratch_operands = 0 : i64, tpu.core_type = #tpu.core_type<tc>, window_params = [{pipeline_mode = #tpu.pipeline_mode<synchronous>, transform_indices = @transform_0, window_bounds = array<i64: 4, 2, 512, 1025>}, {transform_indices = @transform_1, window_bounds = array<i64: 1, 2, 125, 128>}, {transform_indices = @transform_2, window_bounds = array<i64: 1, 1, 125>}, {transform_indices = @transform_3, window_bounds = array<i64: 1, 1, 128>}, {transform_indices = @transform_4, window_bounds = array<i64: 1, 4, 512, 128>}]} {
    %get3A = arith.index_cast %arg0 : i32 to index
    %get3A_0 = memref.load %arg1[%get3A] : memref<64xi32, #tpu.memory_space<smem>>
    %jit3A = arith.constant 128 : i32
    %div3A = arith.divsi %get3A_0, %jit3A : i32
    %sign3A = arith.constant 0 : i32
    %sign3A_1 = arith.cmpi sgt, %get3A_0, %sign3A : i32
    %sign3A_2 = arith.extui %sign3A_1 : i1 to i32
    %sign3A_3 = arith.constant 0 : i32
    %sign3A_4 = arith.cmpi slt, %get3A_0, %sign3A_3 : i32
    %sign3A_5 = arith.extui %sign3A_4 : i1 to i32
    %sign3A_6 = arith.subi %sign3A_2, %sign3A_5 : i32
    %sign3A_7 = arith.constant 0 : i32
    %sign3A_8 = arith.cmpi sgt, %jit3A, %sign3A_7 : i32
    %sign3A_9 = arith.extui %sign3A_8 : i1 to i32
    %sign3A_10 = arith.constant 0 : i32
    %sign3A_11 = arith.cmpi slt, %jit3A, %sign3A_10 : i32
    %sign3A_12 = arith.extui %sign3A_11 : i1 to i32
    %sign3A_13 = arith.subi %sign3A_9, %sign3A_12 : i32
    %ne3A = arith.cmpi ne, %sign3A_6, %sign3A_13 : i32
    %rem3A = arith.remsi %get3A_0, %jit3A : i32
    %ne3A_14 = arith.constant 0 : i32
    %ne3A_15 = arith.cmpi ne, %rem3A, %ne3A_14 : i32
    %and3A = arith.andi %ne3A, %ne3A_15 : i1
    %sub3A = arith.constant 1 : i32
    %sub3A_16 = arith.subi %div3A, %sub3A : i32
    %select_n3A = arith.select %and3A, %sub3A_16, %div3A : i32
    %min3A = arith.constant 7 : i32
    %min3A_17 = arith.minsi %select_n3A, %min3A : i32
    %mul3A = arith.constant 128 : i32
    %mul3A_18 = arith.muli %min3A_17, %mul3A : i32
    %sub3A_19 = arith.subi %get3A_0, %mul3A_18 : i32
    %get3A_20 = arith.constant 0 : index
    %get3A_21 = arith.constant 0 : index
    %get3A_22 = arith.constant 0 : index
    %get3A_23 = vector.load %arg4[%get3A_20, %get3A_21, %get3A_22] : memref<1x1x125xf32, #tpu.memory_space<vmem>>, vector<1x1x125xf32>
    %get3A_24 = vector.shape_cast %get3A_23 : vector<1x1x125xf32> to vector<125xf32>
    %broadcast_in_dim3A = arith.constant 0.000000e+00 : f32
    %broadcast_in_dim3A_25 = vector.broadcast %broadcast_in_dim3A : f32 to vector<131x128xf32>
    %get3A_26 = arith.constant 0 : index
    %get3A_27 = arith.constant 0 : index
    %get3A_28 = arith.constant 0 : index
    %get3A_29 = arith.constant 0 : index
    %get3A_30 = vector.load %arg3[%get3A_26, %get3A_27, %get3A_28, %get3A_29] : memref<1x2x125x128xf32, #tpu.memory_space<vmem>>, vector<1x1x125x128xf32>
    %get3A_31 = vector.shape_cast %get3A_30 : vector<1x1x125x128xf32> to vector<125x128xf32>
    %broadcast_in_dim3A_32 = vector.shape_cast %get3A_24 : vector<125xf32> to vector<125x1xf32>
    %mul3A_33 = vector.broadcast %broadcast_in_dim3A_32 : vector<125x1xf32> to vector<125x128xf32>
    %mul3A_34 = arith.mulf %get3A_31, %mul3A_33 : vector<125x128xf32>
    %concatenate3A = tpu.concatenate %mul3A_34, %broadcast_in_dim3A_25 in 0 : vector<125x128xf32>, vector<131x128xf32> -> vector<256x128xf32>
    %roll3A = tpu.dynamic_rotate %concatenate3A by %sub3A_19 dim 0 : vector<256x128xf32>, i32 -> vector<256x128xf32>
    %convert_element_type3A = arith.truncf %roll3A : vector<256x128xf32> to vector<256x128xbf16>
    %get3A_35 = arith.constant 0 : index
    %get3A_36 = arith.constant 1 : index
    %get3A_37 = arith.constant 0 : index
    %get3A_38 = arith.constant 0 : index
    %get3A_39 = vector.load %arg3[%get3A_35, %get3A_36, %get3A_37, %get3A_38] : memref<1x2x125x128xf32, #tpu.memory_space<vmem>>, vector<1x1x125x128xf32>
    %get3A_40 = vector.shape_cast %get3A_39 : vector<1x1x125x128xf32> to vector<125x128xf32>
    %broadcast_in_dim3A_41 = vector.shape_cast %get3A_24 : vector<125xf32> to vector<125x1xf32>
    %mul3A_42 = vector.broadcast %broadcast_in_dim3A_41 : vector<125x1xf32> to vector<125x128xf32>
    %mul3A_43 = arith.mulf %get3A_40, %mul3A_42 : vector<125x128xf32>
    %concatenate3A_44 = tpu.concatenate %mul3A_43, %broadcast_in_dim3A_25 in 0 : vector<125x128xf32>, vector<131x128xf32> -> vector<256x128xf32>
    %roll3A_45 = tpu.dynamic_rotate %concatenate3A_44 by %sub3A_19 dim 0 : vector<256x128xf32>, i32 -> vector<256x128xf32>
    %convert_element_type3A_46 = arith.truncf %roll3A_45 : vector<256x128xf32> to vector<256x128xbf16>
    %get3A_47 = arith.constant 0 : index
    %get3A_48 = arith.constant 0 : index
    %get3A_49 = arith.constant 0 : index
    %get3A_50 = vector.load %arg5[%get3A_47, %get3A_48, %get3A_49] : memref<1x1x128xf32, #tpu.memory_space<vmem>>, vector<1x1x128xf32>
    %get3A_51 = vector.shape_cast %get3A_50 : vector<1x1x128xf32> to vector<128xf32>
    %mul3A_52 = arith.constant 128 : i32
    %mul3A_53 = arith.muli %min3A_17, %mul3A_52 : i32
    %iota3A = tpu.iota {dimensions = array<i32: 1>} : vector<1x256xi32>
    %add3A = vector.broadcast %mul3A_53 : i32 to vector<1x256xi32>
    %add3A_54 = arith.addi %add3A, %iota3A : vector<1x256xi32>
    %lt3A = arith.constant 1025 : i32
    %lt3A_55 = vector.broadcast %lt3A : i32 to vector<1x256xi32>
    %lt3A_56 = arith.cmpi slt, %add3A_54, %lt3A_55 : vector<1x256xi32>
    %mul3A_57 = arith.constant 128 : i32
    %mul3A_58 = arith.muli %min3A_17, %mul3A_57 : i32
    %get3A_59 = arith.constant 0 : index
    %get3A_60 = arith.constant 0 : index
    %get3A_61 = arith.constant 0 : index
    %get3A_62 = arith.index_cast %mul3A_58 : i32 to index
    %get3A_63 = vector.load %arg2[%get3A_59, %get3A_60, %get3A_61, %get3A_62] : memref<4x2x512x1025xf32, #tpu.memory_space<vmem>>, vector<4x1x512x256xf32>
    %get3A_64 = vector.shape_cast %get3A_63 : vector<4x1x512x256xf32> to vector<4x512x256xf32>
    %reshape3A = vector.shape_cast %get3A_64 : vector<4x512x256xf32> to vector<2048x256xf32>
    %jit3A_65 = arith.constant 0.000000e+00 : f32
    %broadcast_in_dim3A_66 = vector.shape_cast %lt3A_56 : vector<1x256xi1> to vector<1x256xi1>
    %broadcast_in_dim3A_67 = vector.broadcast %broadcast_in_dim3A_66 : vector<1x256xi1> to vector<2048x256xi1>
    %broadcast_in_dim3A_68 = vector.broadcast %jit3A_65 : f32 to vector<2048x256xf32>
    %select_n3A_69 = arith.select %broadcast_in_dim3A_67, %reshape3A, %broadcast_in_dim3A_68 : vector<2048x256xi1>, vector<2048x256xf32>
    %convert_element_type3A_70 = arith.truncf %select_n3A_69 : vector<2048x256xf32> to vector<2048x256xbf16>
    %dot_general3A = arith.constant dense<0.000000e+00> : vector<2048x128xf32>
    %dot_general3A_71 = tpu.matmul %convert_element_type3A_70, %convert_element_type3A, %dot_general3A {dimension_numbers = #tpu.dot_dimension_numbers<[1], [0], [0], [1], [0, 0, 1, 1], [], []>, transpose_lhs_hint = false} : vector<2048x256xbf16>, vector<256x128xbf16>, vector<2048x128xf32> -> vector<2048x128xf32>
    %mul3A_72 = arith.constant 128 : i32
    %mul3A_73 = arith.muli %min3A_17, %mul3A_72 : i32
    %get3A_74 = arith.constant 0 : index
    %get3A_75 = arith.constant 1 : index
    %get3A_76 = arith.constant 0 : index
    %get3A_77 = arith.index_cast %mul3A_73 : i32 to index
    %get3A_78 = vector.load %arg2[%get3A_74, %get3A_75, %get3A_76, %get3A_77] : memref<4x2x512x1025xf32, #tpu.memory_space<vmem>>, vector<4x1x512x256xf32>
    %get3A_79 = vector.shape_cast %get3A_78 : vector<4x1x512x256xf32> to vector<4x512x256xf32>
    %reshape3A_80 = vector.shape_cast %get3A_79 : vector<4x512x256xf32> to vector<2048x256xf32>
    %jit3A_81 = arith.constant 0.000000e+00 : f32
    %broadcast_in_dim3A_82 = vector.shape_cast %lt3A_56 : vector<1x256xi1> to vector<1x256xi1>
    %broadcast_in_dim3A_83 = vector.broadcast %broadcast_in_dim3A_82 : vector<1x256xi1> to vector<2048x256xi1>
    %broadcast_in_dim3A_84 = vector.broadcast %jit3A_81 : f32 to vector<2048x256xf32>
    %select_n3A_85 = arith.select %broadcast_in_dim3A_83, %reshape3A_80, %broadcast_in_dim3A_84 : vector<2048x256xi1>, vector<2048x256xf32>
    %convert_element_type3A_86 = arith.truncf %select_n3A_85 : vector<2048x256xf32> to vector<2048x256xbf16>
    %dot_general3A_87 = arith.constant dense<0.000000e+00> : vector<2048x128xf32>
    %dot_general3A_88 = tpu.matmul %convert_element_type3A_86, %convert_element_type3A_46, %dot_general3A_87 {dimension_numbers = #tpu.dot_dimension_numbers<[1], [0], [0], [1], [0, 0, 1, 1], [], []>, transpose_lhs_hint = false} : vector<2048x256xbf16>, vector<256x128xbf16>, vector<2048x128xf32> -> vector<2048x128xf32>
    %add3A_89 = arith.addf %dot_general3A_71, %dot_general3A_88 : vector<2048x128xf32>
    %broadcast_in_dim3A_90 = vector.shape_cast %get3A_51 : vector<128xf32> to vector<1x128xf32>
    %add3A_91 = vector.broadcast %broadcast_in_dim3A_90 : vector<1x128xf32> to vector<2048x128xf32>
    %add3A_92 = arith.addf %add3A_89, %add3A_91 : vector<2048x128xf32>
    %reshape3A_93 = vector.shape_cast %add3A_92 : vector<2048x128xf32> to vector<4x512x128xf32>
    %swap3A = arith.constant 0 : index
    %swap3A_94 = arith.constant 0 : index
    %swap3A_95 = arith.constant 0 : index
    %swap3A_96 = arith.constant 0 : index
    %swap3A_97 = vector.load %arg6[%swap3A, %swap3A_94, %swap3A_95, %swap3A_96] : memref<1x4x512x128xf32, #tpu.memory_space<vmem>>, vector<1x4x512x128xf32>
    %swap3A_98 = vector.shape_cast %swap3A_97 : vector<1x4x512x128xf32> to vector<4x512x128xf32>
    %swap3A_99 = vector.shape_cast %reshape3A_93 : vector<4x512x128xf32> to vector<1x4x512x128xf32>
    tpu.vector_store %arg6[%swap3A, %swap3A_94, %swap3A_95, %swap3A_96], %swap3A_99 {strides = array<i32>} : memref<1x4x512x128xf32, #tpu.memory_space<vmem>>, vector<1x4x512x128xf32>,
    return
  }
  func.func @transform_0(%arg0: i32, %arg1: memref<64xi32, #tpu.memory_space<smem>>) -> (i32, i32, i32, i32) {
    %c0_i32 = arith.constant 0 : i32
    %c0_i32_0 = arith.constant 0 : i32
    %c0_i32_1 = arith.constant 0 : i32
    %c0_i32_2 = arith.constant 0 : i32
    %c0_i32_3 = arith.constant 0 : i32
    return %c0_i32, %c0_i32_0, %c0_i32_1, %c0_i32_2 : i32, i32, i32, i32
  }
  func.func @transform_1(%arg0: i32, %arg1: memref<64xi32, #tpu.memory_space<smem>>) -> (i32, i32, i32, i32) {
    %c0_i32 = arith.constant 0 : i32
    %c0_i32_0 = arith.constant 0 : i32
    %c0_i32_1 = arith.constant 0 : i32
    %c0_i32_2 = arith.constant 0 : i32
    return %arg0, %c0_i32, %c0_i32_0, %c0_i32_1 : i32, i32, i32, i32
  }
  func.func @transform_2(%arg0: i32, %arg1: memref<64xi32, #tpu.memory_space<smem>>) -> (i32, i32, i32) {
    %c0_i32 = arith.constant 0 : i32
    %c0_i32_0 = arith.constant 0 : i32
    %c0_i32_1 = arith.constant 0 : i32
    return %arg0, %c0_i32, %c0_i32_0 : i32, i32, i32
  }
  func.func @transform_3(%arg0: i32, %arg1: memref<64xi32, #tpu.memory_space<smem>>) -> (i32, i32, i32) {
    %c0_i32 = arith.constant 0 : i32
    %c0_i32_0 = arith.constant 0 : i32
    %c0_i32_1 = arith.constant 0 : i32
    return %arg0, %c0_i32, %c0_i32_0 : i32, i32, i32
  }
  func.func @transform_4(%arg0: i32, %arg1: memref<64xi32, #tpu.memory_space<smem>>) -> (i32, i32, i32, i32) {
    %c0_i32 = arith.constant 0 : i32
    %c0_i32_0 = arith.constant 0 : i32
    %c0_i32_1 = arith.constant 0 : i32
    %c0_i32_2 = arith.constant 0 : i32
    return %arg0, %c0_i32, %c0_i32_0, %c0_i32_1 : i32, i32, i32, i32
  }
}

</mosaic_0001>

<sc_bundles>
// kernel: sparse-core-data-format-call.cloned.1.call-start
scs
called_computation_lowered:
.L_overlay_start_0:
0x0: {  	s2 =	sld [smem:$0x3FD9]  }
0x1: {  	s3 =	sld [smem:$0x3FFE];
	_ =	sdelay $0x1  }
0x2: {  	s1 =	srdreg.scid  }
0x3: {  	s0 =	sand.u32 $0x1, s1  }
0x4: {  	s18 =	sshll.u32 s0, $0xA;
	s2 =	sadd.s32 s3, s2  }
0x5: {  	s2 =	sadd.s32 s2, s18  }
0x6: {  	[smem:$0x3FC3] =	sst s2  }
0x7: {  	_ = 	snop  }
0x8: {  	s2 =	sld [smem:$0x3FD0];
	(tm) =	ssettm $0x1  }
0x9: {  	s19 =	sld [smem:$0x3FFB];
	_ =	sdelay $0x3  }
0xa: {  	_ =	strace s19  }
0xb: {  	s3 =	sld [smem:$0x3FFC];
	_ =	sdelay $0x3  }
0xc: {  	_ =	strace s3  }
0xd: {  	s3 =	sld [smem:$0x3FFD];
	_ =	sdelay $0x3  }
0xe: {  	_ =	strace s3  }
0xf: {  	_ =	strace $0x8FFFFFFF  }
0x10: {  	s20 =	sld [smem:$0x3FDB];
	_ =	sdelay $0x1  }
0x11: {  	s4 =	simm.s32 $_scs_section_size  }
0x12: {  	s5 =	simm.s32 $_size__tile_overlayer_lowered;
	s6 =	simm.s32 $_tile_overlayer_lowered  }
0x13: {  	s23 =	simm.s32 $0x1BFF;
	s22 =	sshll.u32 s6, $0x1;
	s3 =	sadd.s32 s4, s20  }
0x14: {  	s7 =	simm.s32 $0x0;
	s21 =	sshll.u32 s5, $0x1;
	s5 =	sadd.s32 s22, s3  }
0x15: {  	[timem:s7], [sflag:s23] =	dma.local [hbm:s5], s21  }
0x16: {  	_ =	swait.ge [sflag:s23], s21  }
0x17: {  	s4 =	ssub.s32 $0x0, s21;
	[sflag:s23] =	ssyncset.done $0x0  }
0x18: {  	[sflag:s23] =	ssyncadd.s32 s4;
	_ =	sdelay $0x1  }
0x19: {  	s24 =	simm.s32 $0x1B8B  }
0x1a: {  	_ =	swait.ge [sflag:s24], $0x1  }
0x1b: {  	[sflag:s24] =	ssyncset.done $0x0  }
0x1c: {  	s26 =	simm.s32 $0x1B8E;
	s25 =	sld [smem:$0x3FFE];
	[sflag:s24] =	ssyncadd.s32 $0xFFFFFFFF  }
0x1d: {  	s27 =	simm.s32 $execute0_lowered;
	[smem:$0x3FD2] =	sst s26  }
0x1e: {  	s5 =	sshll.u32 s27, $0x1;
	_ =	strace $0x80000046;
	[dreg:$0x1] =	wrdreg $0xFFFFFFFF  }
0x1f: {  	s28 =	simm.s32 $_size_execute0_lowered;
	s3 =	sadd.s32 s3, s5;
	[dreg:$0x0] =	wrdreg $0x0  }
0x20: {  	s5 =	sshll.u32 s28, $0x1;
	[dreg:$0x2] =	wrdreg s3  }
0x21: {  	[dreg:$0x3] =	wrdreg s5  }
0x22: {  	[dreg:$0x4] =	wrdreg $0xC0  }
0x23: {  	_ =	task [dreg:s7], $0x5FFFF  }
0x24: {  	[dreg:$0x1] =	wrdreg $0xFFFFFFFF  }
0x25: {  	[dreg:$0x0] =	wrdreg $0x60  }
0x26: {  	[dreg:$0x2] =	wrdreg s25  }
0x27: {  	[dreg:$0x3] =	wrdreg s2  }
0x28: {  	[dreg:$0x4] =	wrdreg $0x9  }
0x29: {  	_ =	task.clear_ibuf [dreg:s7], $0x5FFFF;
	_ =	strace $0x90000046  }
0x2a: {  	s29 =	simm.s32 $0x9;
	_ =	strace $0x80000048  }
0x2b: {  	_ =	swait.ge [sflag:s29], $0x1  }
0x2c: {  	[sflag:s29] =	ssyncadd.s32 $0xFFFFFFFF  }
0x2d: {  	_ =	strace $0x90000048  }
0x2e: {  	_ =	sfence  }
0x2f: {  	s30 =	sld [smem:$0x0];
	_ =	sdelay $0x2  }
0x30: {  	s31 =	sshll.u32 s1, $0xD;
	s1 =	sshrl.u32 s1, $0x2  }
0x31: {  	s3 =	sand.u32 $0x4000, s31;
	s1 =	sadd.s32 s1, s30  }
0x32: {  	s0 =	sor.u32 s3, s0;
	s1 =	sshll.u32 s1, $0x11  }
0x33: {  	s0 =	sor.u32 s1, s0  }
0x34: {  	s0 =	sadd.s32 $0x8F2B, s0  }
0x35: {  	[sflag:s0] =	ssyncadd.remote.s32 $0x1  }
0x36: {  	_ =	sfence.sel $0xFFFF  }
0x37: {  	[dreg:$0x0] =	wrdreg $0xFFFFFFFF;
	(pc) =	sbr.abs _section_cstart, $3  }
0x38: {  	[dreg:$0x1] =	wrdreg $0xFFFFFFFF  }
0x39: {  	_ =	task.clear_ibuf [dreg:s7], $0x2FFFF;
	_ =	strace $0x9FFFFFFF  }
0x3a: {  	(tm) =	ssettm $0x7FFFFFFF  }
0x3b: {  	_ =	shalt  }
tec
execute0_lowered:
.L_overlay_start_1:
0x0: {  	(tag) =	ssettag $0x1  }
0x1: {  	s1 =	rddreg [dreg:$0x0]  }
0x2: {  	s2 =	rddreg [dreg:$0x1]  }
0x3: {  	s0 =	rddreg [dreg:$0x2]  }
0x4: {  	s4 =	srdreg.scid;
	_ =	strace $0x80000047;
	s6 =	simm.s32 $0x2  }
0x5: {  	s11 =	simm.s32 $0x0;
	p0 =	por $0x0, $0x0;
	s12 =	simm.s32 $0x0  }
.Ltmp0:
0x6: {  	s13 =	simm.s32 $0x0;
	s8 =	simm.s32 $0x0;
	(pc) =	sbr.rel .LBB1_1-.Ltmp0, $4  }
0x7: {  	s9 =	simm.s32 $0x0;
	s3 =	sadd.s32 $0x400, s1;
	s4 =	sshll.u32 s4, $0x4  }
0x8: {  	s1 =	stileid.u32;
	s5 =	sand.u32 $0x10, s4;
	s4 =	simm.s32 $0x1  }
0x9: {  	s7 =	simm.s32 $0x0;
	s5 =	sor.u32 s1, s5;
	[sflag:s4] =	ssyncpa.u1 $0x0  }
0xa: {  	[sflag:s6] =	ssyncpa.u1 $0x0;
	s6 =	simm.s32 $0x8000;
	s10 =	smov.u32 s5  }
.LBB1_5:
0xb: {  	s14 =	sadd.s32 $0x80, s8  }
0xc: {  	s11 =	simm.s32 $0x1;
	p2 =	sgt.s32 s14, $0x1FF  }
0xd: {  	s11 =	simm.s32 @!p2 $0x0  }
0xe: {  	s15 =	sadd.s32 s11, s9  }
0xf: {  	s17 =	smov.u32 s10;
	s11 =	sadd.s32 $0x20, s10;
	p3 =	sgt.s32 s15, $0x3  }
0x10: {  	p1 =	slt.u32 s7, $0x2;
	s17 =	smov.u32 @p3 s11  }
0x11: {  	s7 =	sadd.s32 $0x1, s7;
	s14 =	simm.s32 @p2 $0x0;
	p2 =	sgt.s32 s17, $0x3F  }
0x12: {  	s17 =	smov.u32 @p2 s5;
	p2 =	sne.s32 s7, $0x22  }
.Ltmp1:
0x13: {  	s16 =	simm.s32 @!p1 $0x2;
	(pc) =	sbr.rel @!p2 .LBB1_6-.Ltmp1, $4  }
0x14: {  	s12 =	smov.u32 s9;
	_ =	swait.ge @!p1 [sflag:s16], $0x4000  }
0x15: {  	s13 =	smov.u32 s10;
	p0 =	por !p0, !p0;
	[sflag:s16] =	ssyncset.done @!p1 $0x0  }
0x16: {  	[sflag:s16] =	ssyncadd.s32 @!p1 $0xFFFFC000;
	s15 =	simm.s32 @p3 $0x0;
	s11 =	smov.u32 s8  }
0x17: {  	s8 =	smov.u32 s14;
	s9 =	smov.u32 s15;
	s10 =	smov.u32 s17  }
.LBB1_1:
0x18: {  	p1 =	sgt.u32 s7, $0x1F  }
0x19: {  	s14 =	sxor.u32 @!p1 $0xFFFFFFFF, s7;
	s15 =	sshll.u32 @!p1 s10, $0xF  }
0x1a: {  	s16 =	sshll.u32 @!p1 s9, $0xD;
	s17 =	sshll.u32 @!p1 s8, $0x4;
	s15 =	sadd.s32 @!p1 s3, s15  }
0x1b: {  	s14 =	sshll.u32 @!p1 s14, $0xE;
	s17 =	sand.u32 @!p1 $0x1FF0, s17;
	s15 =	sadd.s32 @!p1 s16, s15  }
0x1c: {  	s14 =	sand.u32 @!p1 $0x4000, s14;
	s16 =	simm.s32 @!p1 $0x0;
	s15 =	sadd.s32 @!p1 s17, s15  }
0x1d: {  	[tilespmem:s14], [sflag:$0x1] =	stream.linear.gather @!p1 [hbm4b:s15+s16], $0x4000, $0x38;
	[tilespmem:$0x10100] =	vst v63  }
0x1e: {  	p1 =	seq.s32 s7, $0x0  }
0x1f: {  	p2 =	seq.s32 @!p1 s7, $0x21  }
0x20: {  	p1 =	por p1, p2  }
.Ltmp2:
0x21: {  	_ = 	snop;
	(pc) =	sbr.rel @p1 .LBB1_5-.Ltmp2, $1  }
0x22: {  	_ =	sdelay $0x3  }
0x23: {  	s14 =	simm.s32 $0x1  }
0x24: {  	_ =	swait.ge [sflag:s4], $0x4000;
	s14 =	simm.s32 @!p0 $0x0  }
0x25: {  	[sflag:s4] =	ssyncset.done $0x0;
	s15 =	sshll.u32 s14, $0xE  }
0x26: {  	[sflag:s4] =	ssyncadd.s32 $0xFFFFC000;
	s16 =	sor.u32 $0x40, s15  }
0x27: {  	s14 =	smul.u32 $0x10200, s14;
	v0 =	vld [tilespmem:s16+$0x30]  }
0x28: {  	v3 =	vld [tilespmem:s16+$0xFFFFFFD0]  }
0x29: {  	s14 =	sshrl.u32 s14, $0x2;
	v4 =	vld [tilespmem:s16+$0xFFFFFFE0]  }
0x2a: {  	v5 =	vld [tilespmem:s16+$0xFFFFFFF0];
	s15 =	sor.u32 $0x8000, s14  }
0x2b: {  	s31 =	sand.u32 $0x1, s7;
	v1 =	vld [tilespmem:s16+$0x0];
	s17 =	sadd.s32 $0x0, s15  }
0x2c: {  	v2 =	vld [tilespmem:s16+$0x10];
	s14 =	smul.u32 $0x10200, s31;
	[tilespmem:s17+$0x3870 ss:$0x81] =	vst.msk $0xffff, v0  }
0x2d: {  	[tilespmem:s17+$0x810 ss:$0x81] =	vst.msk $0xffff, v3;
	v3 =	vld [tilespmem:s16+$0x20]  }
0x2e: {  	s14 =	sshrl.u32 s14, $0x2;
	v0 =	vld [tilespmem:s16+$0xFFFFFFC0];
	[tilespmem:s17+$0x1020 ss:$0x81] =	vst.msk $0xffff, v4;
	s16 =	sadd.s32 $0x80, s16  }
0x2f: {  	s18 =	simm.s32 $0x4;
	s19 =	simm.s32 $0x8;
	s14 =	sor.u32 $0x8000, s14;
	[tilespmem:s17+$0x1830 ss:$0x81] =	vst.msk $0xffff, v5;
	v4 =	vld [tilespmem:s16+$0x30]  }
.LBB1_3:
0x30: {  	p1 =	sne.s32 s19, $0x1FC;
	v5 =	vld [tilespmem:s16+$0xFFFFFFD0];
	[tilespmem:s17+$0x2040 ss:$0x81] =	vst.msk $0xffff, v1  }
0x31: {  	v6 =	vld [tilespmem:s16+$0xFFFFFFE0];
	[tilespmem:s17+$0x2850 ss:$0x81] =	vst.msk $0xffff, v2  }
0x32: {  	s20 =	sshra.s32 s18, $0x2;
	s18 =	smov.u32 s19;
	v7 =	vld [tilespmem:s16+$0xFFFFFFF0];
	[tilespmem:s17+$0x3060 ss:$0x81] =	vst.msk $0xffff, v3  }
.Ltmp3:
0x33: {  	v1 =	vld [tilespmem:s16+$0x0];
	[tilespmem:s17+$0x0 ss:$0x81] =	vst.msk $0xffff, v0;
	s17 =	sadd.s32 s20, s15;
	(pc) =	sbr.rel @p1 .LBB1_3-.Ltmp3, $4  }
0x34: {  	v2 =	vld [tilespmem:s16+$0x10];
	[tilespmem:s17+$0x3870 ss:$0x81] =	vst.msk $0xffff, v4  }
0x35: {  	[tilespmem:s17+$0x810 ss:$0x81] =	vst.msk $0xffff, v5;
	v3 =	vld [tilespmem:s16+$0x20]  }
0x36: {  	v0 =	vld [tilespmem:s16+$0xFFFFFFC0];
	[tilespmem:s17+$0x1020 ss:$0x81] =	vst.msk $0xffff, v6;
	s16 =	sadd.s32 $0x80, s16  }
0x37: {  	s19 =	sadd.s32 $0x4, s19;
	v4 =	vld [tilespmem:s16+$0x30];
	[tilespmem:s17+$0x1830 ss:$0x81] =	vst.msk $0xffff, v7  }
0x38: {  	v5 =	vld [tilespmem:s16+$0xFFFFFFD0];
	[tilespmem:s17+$0x2040 ss:$0x81] =	vst.msk $0xffff, v1  }
0x39: {  	v58 =	vld [tilespmem:s16+$0xFFFFFFE0];
	[tilespmem:s17+$0x2850 ss:$0x81] =	vst.msk $0xffff, v2  }
0x3a: {  	s18 =	sshra.s32 s18, $0x2;
	v59 =	vld [tilespmem:s16+$0xFFFFFFF0];
	[tilespmem:s17+$0x3060 ss:$0x81] =	vst.msk $0xffff, v3  }
0x3b: {  	v60 =	vld [tilespmem:s16+$0x0];
	s15 =	sadd.s32 s18, s15;
	[tilespmem:s17+$0x0 ss:$0x81] =	vst.msk $0xffff, v0  }
0x3c: {  	v61 =	vld [tilespmem:s16+$0x10];
	s25 =	sshll.u32 s13, $0x9;
	s26 =	sshll.u32 s11, $0x3;
	[tilespmem:s15+$0x3870 ss:$0x81] =	vst.msk $0xffff, v4  }
0x3d: {  	v62 =	vld [tilespmem:s16+$0x20];
	s27 =	sshll.u32 s13, $0x7;
	s30 =	sand.u32 $0x78, s11;
	s12 =	sshll.u32 s12, $0x13;
	[tilespmem:s15+$0x810 ss:$0x81] =	vst.msk $0xffff, v5  }
0x3e: {  	v63 =	vld [tilespmem:s16+$0xFFFFFFC0];
	s31 =	sand.u32 $0x7, s11;
	s18 =	sand.u32 $0x7C00, s26;
	s17 =	sand.u32 $0x7000, s25;
	[tilespmem:s15+$0x1020 ss:$0x81] =	vst.msk $0xffff, v58  }
0x3f: {  	s29 =	sand.u32 $0x200, s27;
	s13 =	sand.u32 $0x180, s27;
	s28 =	sadd.s32 s17, s18;
	[tilespmem:s15+$0x1830 ss:$0x81] =	vst.msk $0xffff, v59  }
.Ltmp4:
0x40: {  	s13 =	sor.u32 s13, s30;
	s16 =	sor.u32 s29, s28;
	[tilespmem:s15+$0x2040 ss:$0x81] =	vst.msk $0xffff, v60;
	(pc) =	sbr.rel .LBB1_5-.Ltmp4, $4  }
0x41: {  	s12 =	sadd.s32 s2, s12;
	s13 =	sshrl.u32 s13, $0x3;
	[tilespmem:s15+$0x2850 ss:$0x81] =	vst.msk $0xffff, v61;
	s16 =	sshrl.u32 s16, $0x3  }
0x42: {  	s11 =	sshll.u32 s31, $0x12;
	s12 =	sadd.s32 s13, s12;
	[tilespmem:s15+$0x3060 ss:$0x81] =	vst.msk $0xffff, v62;
	s16 =	sand.u32 $0xFC0, s16  }
0x43: {  	s11 =	sor.u32 $0x80, s11;
	[tilespmem:s15+$0x0 ss:$0x81] =	vst.msk $0xffff, v63;
	s12 =	sadd.s32 s16, s12  }
0x44: {  	[hbm4b:s12+s11] =	stream.strided.scatter [tilespmem:s14], [sflag:$0x2], $0x4000, s6, s11, $0x20;
	[tilespmem:$0x10100] =	vst v63  }
.LBB1_6:
0x45: {  	_ =	sfence.sel $0x180000  }
0x46: {  	s2 =	simm.s32 $0x1;
	[bflag:$0x0] =	sbarrier.arrive $0xFFFF  }
0x47: {  	s31 =	simm.s32 $0x2;
	[sflag:s2] =	ssyncpa.u1 $0x1  }
0x48: {  	[sflag:s31] =	ssyncpa.u1 $0x1  }
0x49: {  	p0 =	sne.s32 s1, $0x0;
	_ =	strace $0x90000047  }
0x4a: {  	s0 =	sadd.s32 @!p0 $0x100000, s0;
	[bflag:$0x2] =	sbarrier.arrive $0xFFFF  }
0x4b: {  	[sflag:s0] =	ssyncadd.tile.s32 @!p0 $0x1;
	_ =	shalt  }
.Lfunc_end1:
_tile_overlayer_lowered:
.L_overlay_start_2:
0x4c: {  	(tag) =	ssettag $0x2  }
0x4d: {  	s0 =	rddreg [dreg:$0x0];
	s2 =	stileid.u32  }
0x4e: {  	s1 =	rddreg [dreg:$0x1];
	p0 =	sne.s32 s2, $0x0  }
0x4f: {  	s3 =	rddreg [dreg:$0x2];
	[bflag:$0x3] =	sbarrier.arrive $0xFFFF;
	s2 =	simm.s32 @!p0 $0x1C01  }
0x50: {  	[timem:s3], [sflag:s2] =	dma.local @!p0 [hbm:s0], s1  }
0x51: {  	s0 =	simm.s32 @!p0 $0x1  }
0x52: {  	_ =	swait.ge @!p0 [sflag:s0], s1  }
0x53: {  	s1 =	ssub.s32 @!p0 $0x0, s1;
	[sflag:s0] =	ssyncset.done @!p0 $0x0  }
0x54: {  	[sflag:s0] =	ssyncadd.s32 @!p0 s1  }
0x55: {  	[bflag:$0x3] =	sbarrier.arrive $0xFFFF  }
0x56: {  	_ =	shalt  }

</sc_bundles>
